<compile_context>
chip_gen: v7x
topology: tpu7x:2x2x1
jax: 0.10.2.dev20260603
libtpu: 0.0.44.dev20260713+nightly
codegen_flags: <defaults>
</compile_context>

<pallas_src>
import functools

import jax
import jax.numpy as jnp
from jax import lax
from jax.experimental import pallas as pl
from jax.experimental.pallas import tpu as pltpu
from jax.experimental.pallas import tpu_sc as plsc

N = 65536
B = 8
NS = 512
MAX_POS = 128
L = 16
NVREG = N // L
WIN = 2048
NWIN = N // WIN
WVREG = WIN // L


def _sc_sampler(flags_hbm, perm_hbm, out_hbm, flags_v, perm_w, out_v, p0_v):
    wid = lax.axis_index("s") * 2 + lax.axis_index("c")
    iota = lax.iota(jnp.int32, L)

    @pl.when(wid < B)
    def _body():
        row_off = wid * N
        pltpu.sync_copy(flags_hbm.at[pl.ds(row_off, N)], flags_v)
        pltpu.sync_copy(perm_hbm.at[pl.ds(row_off, L)], p0_v)

        def o1(i, carry):
            vt, vp = carry
            g = flags_v[pl.ds(i * L, L)]
            return vt + (g & 1), vp + ((g >> 1) & g & 1)

        vt, vp = lax.fori_loop(0, NVREG, o1,
                               (jnp.zeros((L,), jnp.int32),
                                jnp.zeros((L,), jnp.int32)))
        num_true = jnp.sum(vt)
        pos_avail = jnp.sum(vp)

        @pl.when(num_true < NS)
        def _pad():
            thresh = NS - num_true

            def padp(i, c):
                g = flags_v[pl.ds(i * L, L)]
                fb = 1 - (g & 1)
                cums = c + plsc.cumsum(fb)
                add = jnp.where((cums <= thresh) & (fb == 1), 1, 0)
                flags_v[pl.ds(i * L, L)] = g | add
                return c + jnp.sum(fb)

            lax.fori_loop(0, NVREG, padp, jnp.int32(0))

        neg_avail = jnp.maximum(num_true, NS) - pos_avail
        num_pos = jnp.minimum(jnp.int32(MAX_POS), pos_avail)
        num_neg = NS - num_pos

        def s1_cond(carry):
            w, cp, cn = carry
            return (w < NWIN) & jnp.logical_not((cp >= num_pos)
                                                & (cn >= num_neg))

        def s1_body(carry):
            w, cp, cn = carry
            start = N - (w + 1) * WIN
            pltpu.sync_copy(perm_hbm.at[pl.ds(row_off + start, WIN)], perm_w)

            def s1v(v, c):
                cp, cn = c
                jr = lax.rev(perm_w[pl.ds(WIN - (v + 1) * L, L)], (0,))
                g = plsc.load_gather(flags_v, [jr])
                pb = (g >> 1) & g & 1
                nb = (g & 1) - pb
                cpv = cp + plsc.cumsum(pb)
                cnv = cn + plsc.cumsum(nb)
                sel = (jnp.where(cpv <= num_pos, pb, 0)
                       | jnp.where(cnv <= num_neg, nb, 0))
                plsc.store_scatter(flags_v, [jr], g | (sel << 2))
                return cp + jnp.sum(pb), cn + jnp.sum(nb)

            cp, cn = lax.fori_loop(0, WVREG, s1v, (cp, cn))
            return w + 1, cp, cn

        lax.while_loop(s1_cond, s1_body,
                       (jnp.int32(0), jnp.int32(0), jnp.int32(0)))

        @pl.when(neg_avail < num_neg)
        def _mark0():
            pv = p0_v[...]
            g = plsc.load_gather(flags_v, [pv])
            plsc.store_scatter(flags_v, [pv], g | 4, mask=iota == 0)

        def o2(i, cnt):
            g = flags_v[pl.ds(i * L, L)]
            sel = (g >> 2) & 1
            plsc.store_compressed(out_v.at[pl.ds(cnt, L)], iota + i * L,
                                  mask=sel == 1)
            return cnt + jnp.sum(sel)

        cnt = lax.fori_loop(0, NVREG, o2, jnp.int32(0))

        @pl.when(cnt < NS)
        def _fill():
            need = NS - cnt

            def fillp(i, f):
                g = flags_v[pl.ds(i * L, L)]
                uns = 1 - ((g >> 2) & 1)
                r = f + plsc.cumsum(uns)
                mi = uns * (r <= need).astype(jnp.int32)
                plsc.store_compressed(out_v.at[pl.ds(cnt + f, L)],
                                      iota + i * L, mask=mi == 1)
                return f + jnp.sum(mi)

            lax.fori_loop(0, NVREG, fillp, jnp.int32(0))

        pltpu.sync_copy(out_v.at[pl.ds(0, NS)], out_hbm.at[pl.ds(wid * NS, NS)])


@jax.jit
def kernel(positive_matches, negative_matches, ignored_matches):
    pos = positive_matches
    ind = jnp.logical_and(jnp.logical_or(pos, negative_matches),
                          jnp.logical_not(ignored_matches))
    flags = ind.astype(jnp.int32) | (pos.astype(jnp.int32) << 1)

    base = jax.random.key(42)
    keys = jax.vmap(lambda i: jax.random.fold_in(base, i))(
        jnp.arange(B, dtype=jnp.uint32))

    def row_bits(k):
        k1, s1 = jax.random.split(k)
        _, s2 = jax.random.split(k1)
        return (jax.random.bits(s1, (N,), jnp.uint32),
                jax.random.bits(s2, (N,), jnp.uint32))

    bits1, bits2 = jax.vmap(row_bits)(keys)
    x = jnp.broadcast_to(jnp.arange(N, dtype=jnp.int32), (B, N))
    _, x1 = lax.sort_key_val(bits1, x, 1)
    _, perm = lax.sort_key_val(bits2, x1, 1)

    mesh = plsc.VectorSubcoreMesh(core_axis_name="c", subcore_axis_name="s")
    out = pl.kernel(
        _sc_sampler,
        mesh=mesh,
        compiler_params=pltpu.CompilerParams(needs_layout_passes=False),
        out_type=jax.ShapeDtypeStruct((B * NS,), jnp.int32),
        scratch_types=[
            pltpu.VMEM((N,), jnp.int32),
            pltpu.VMEM((WIN,), jnp.int32),
            pltpu.VMEM((NS + L,), jnp.int32),
            pltpu.VMEM((L,), jnp.int32),
        ],
    )(flags.reshape(-1), perm.reshape(-1))
    return out.reshape(B, NS)

# --- scband reference (transcript-rebuilt; emitter-appended) ---
"""Pipeline reference for scband-box-sampler-80496277062419 (READ-ONLY COPY).

The authoritative reference and input builder live on the scoring server;
editing this copy changes nothing except your own understanding.
"""

import jax, jax.numpy as jnp
import numpy as np

NUM_SAMPLES = 512
FOREGROUND_FRACTION = 0.25


def setup_inputs(seed: int = 0) -> dict:
    key = jax.random.key(seed)
    k1, k2 = jax.random.split(key, 2)
    batch, N = 8, 65536
    positive_matches = jax.random.bernoulli(k1, 0.02, (batch, N))
    ignored_matches = jnp.logical_and(
        jax.random.bernoulli(k2, 0.05, (batch, N)),
        jnp.logical_not(positive_matches))
    negative_matches = jnp.logical_not(
        jnp.logical_or(positive_matches, ignored_matches))
    return {
        'positive_matches': positive_matches,
        'negative_matches': negative_matches,
        'ignored_matches': ignored_matches,
    }


def _static_subsample(key, indicator, labels, num_samples, positive_fraction):
    # Faithful port of TF object_detection BalancedPositiveNegativeSampler
    # (is_static=True) using JAX randomness for the shuffle.
    N = indicator.shape[0]
    # Pad indicator with additional false samples so at least num_samples are set.
    num_true = jnp.sum(indicator.astype(jnp.float32))
    additional_false = jnp.cumsum(
        jnp.logical_not(indicator).astype(jnp.float32)) <= (num_samples - num_true)
    indicator = jnp.logical_or(indicator, additional_false)

    # Shuffle indicator and labels (store permutation to restore order).
    perm = jax.random.permutation(key, N)
    ind_p = indicator[perm]
    lab_p = labels[perm]

    # index (1-based) where indicator is True, 0 where False.
    indicator_idx = jnp.where(ind_p, jnp.arange(1, N + 1, dtype=jnp.int32),
                              jnp.zeros((N,), jnp.int32))
    # +1 for positive labels, -1 for negative labels.
    signed_label = jnp.where(lab_p, jnp.ones((N,), jnp.int32),
                             -jnp.ones((N,), jnp.int32))
    signed_idx = indicator_idx * signed_label
    sorted_signed = jax.lax.top_k(signed_idx, N)[0]

    # Determine number of positive / negative samples.
    num_pos_avail = jnp.sum((sorted_signed > 0).astype(jnp.int32))
    max_pos = jnp.int32(int(num_samples * positive_fraction))
    num_pos = jnp.minimum(max_pos, num_pos_avail)
    num_neg = jnp.int32(num_samples) - num_pos

    # Select num_pos values from the start, num_neg from the end.
    pos_range = jnp.arange(N)
    selected = jnp.logical_or(pos_range < num_pos, pos_range >= (N - num_neg))
    sel_f = selected.astype(jnp.float32)
    indexed = (jnp.cumsum(sel_f) * sel_f).astype(jnp.int32)  # 1-based rank
    # Scatter selected sorted values into their output slots (equivalent to
    # the one_hot + tensordot in the TF implementation).
    slot = jnp.where(selected, indexed - 1, num_samples)
    sampled_idx = jnp.zeros((num_samples + 1,), jnp.int32).at[slot].add(
        jnp.where(selected, sorted_signed, 0))[:num_samples]

    # Shift back to 0-based indices; clamp invalid entries to 0 (TF-faithful).
    sampled_idx = jnp.abs(sampled_idx) - 1
    sampled_idx = jnp.where(sampled_idx >= 0, sampled_idx, 0)

    # Indicator over shuffled positions (equivalent to reduce_sum of one_hot).
    sampled_ind = jnp.zeros((N,), jnp.int32).at[sampled_idx].add(1) > 0

    # Project back to original order via the stored permutation.
    idx_indicator = jnp.zeros((N,), jnp.float32).at[perm].set(
        sampled_ind.astype(jnp.float32))
    return idx_indicator.astype(bool)


def reference(positive_matches, negative_matches, ignored_matches):
    num_samples = NUM_SAMPLES
    sample_candidates = jnp.logical_and(
        jnp.logical_or(positive_matches, negative_matches),
        jnp.logical_not(ignored_matches))
    batch = sample_candidates.shape[0]
    base_key = jax.random.key(42)
    sampled_indicators = []
    for i in range(batch):
        k = jax.random.fold_in(base_key, i)
        sampled_indicators.append(
            _static_subsample(k, sample_candidates[i], positive_matches[i],
                              num_samples, FOREGROUND_FRACTION))
    sampled_indicators = jnp.stack(sampled_indicators)
    _, selected_indices = jax.lax.top_k(
        sampled_indicators.astype(jnp.int32), num_samples)
    return selected_indices

if __name__ == "__main__":
    import jax
    _d = setup_inputs()
    print(jax.jit(kernel)(*tuple(_d.values())))

</pallas_src>

<mosaic_0001>
#map = affine_map<(d0, d1) -> (0)>
module attributes {stable_mosaic.version = 14 : i64} {
  func.func @_sc_sampler(%arg0: i32, %arg1: i32, %arg2: memref<524288xi32, #tpu.memory_space<hbm>>, %arg3: memref<524288xi32, #tpu.memory_space<hbm>>, %arg4: memref<4096xi32, #tpu.memory_space<hbm>>, %arg5: memref<65536xi32, #tpu.memory_space<vmem>>, %arg6: memref<2048xi32, #tpu.memory_space<vmem>>, %arg7: memref<528xi32, #tpu.memory_space<vmem>>, %arg8: memref<16xi32, #tpu.memory_space<vmem>>) attributes {dimension_semantics = [#tpu.dimension_semantics<core_parallel>, #tpu.dimension_semantics<subcore_parallel>], iteration_bounds = array<i64: 2, 16>, scalar_prefetch = 0 : i64, scratch_operands = 4 : i64, tpu.core_type = #tpu.core_type<sc_vector_subcore>, window_params = [{transform_indices = #map}, {transform_indices = #map}, {transform_indices = #map}]} {
    %mul3A = arith.constant 2 : i32
    %mul3A_0 = arith.muli %arg1, %mul3A : i32
    %add3A = arith.addi %mul3A_0, %arg0 : i32
    %iota3A = tpu.iota {dimensions = array<i32: 0>} : vector<16xi32>
    %lt3A = arith.constant 8 : i32
    %lt3A_1 = arith.cmpi slt, %add3A, %lt3A : i32
    %convert_element_type3A = arith.extui %lt3A_1 : i1 to i32
    %cond3A = arith.constant 0 : i32
    %cond3A_2 = arith.cmpi ne, %convert_element_type3A, %cond3A : i32
    scf.if %cond3A_2 {
      %mul3A_3 = arith.constant 65536 : i32
      %mul3A_4 = arith.muli %add3A, %mul3A_3 : i32
      "tpu.region"() ({
        %run_scoped3A = tpu.sem_alloc : memref<!tpu.dma_semaphore, #tpu.memory_space<semaphore_mem>>
        %dma_start3A = tpu.memref_slice %arg2[%mul3A_4] : memref<524288xi32, #tpu.memory_space<hbm>> -> memref<65536xi32, #tpu.memory_space<hbm>>
        %dma_start3A_50 = tpu.memref_slice %arg2[%mul3A_4] : memref<524288xi32, #tpu.memory_space<hbm>> -> memref<65536xi32, #tpu.memory_space<hbm>>
        tpu.enqueue_dma source(%dma_start3A_50 : memref<65536xi32, #tpu.memory_space<hbm>>) target(%arg5 : memref<65536xi32, #tpu.memory_space<vmem>>) target_semaphore(%run_scoped3A : memref<!tpu.dma_semaphore, #tpu.memory_space<semaphore_mem>>)
        %dma_wait3A = tpu.memref_slice %arg2[%mul3A_4] : memref<524288xi32, #tpu.memory_space<hbm>> -> memref<65536xi32, #tpu.memory_space<hbm>>
        %dma_wait3A_51 = tpu.memref_slice %arg2[%mul3A_4] : memref<524288xi32, #tpu.memory_space<hbm>> -> memref<65536xi32, #tpu.memory_space<hbm>>
        tpu.wait_dma2 semaphore(%run_scoped3A : memref<!tpu.dma_semaphore, #tpu.memory_space<semaphore_mem>>) src(%dma_wait3A_51 : memref<65536xi32, #tpu.memory_space<hbm>>) dst(%arg5 : memref<65536xi32, #tpu.memory_space<vmem>>)
        tpu.yield
      }) : () -> ()
      "tpu.region"() ({
        %run_scoped3A = tpu.sem_alloc : memref<!tpu.dma_semaphore, #tpu.memory_space<semaphore_mem>>
        %dma_start3A = tpu.memref_slice %arg3[%mul3A_4] : memref<524288xi32, #tpu.memory_space<hbm>> -> memref<16xi32, #tpu.memory_space<hbm>>
        %dma_start3A_50 = tpu.memref_slice %arg3[%mul3A_4] : memref<524288xi32, #tpu.memory_space<hbm>> -> memref<16xi32, #tpu.memory_space<hbm>>
        tpu.enqueue_dma source(%dma_start3A_50 : memref<16xi32, #tpu.memory_space<hbm>>) target(%arg8 : memref<16xi32, #tpu.memory_space<vmem>>) target_semaphore(%run_scoped3A : memref<!tpu.dma_semaphore, #tpu.memory_space<semaphore_mem>>)
        %dma_wait3A = tpu.memref_slice %arg3[%mul3A_4] : memref<524288xi32, #tpu.memory_space<hbm>> -> memref<16xi32, #tpu.memory_space<hbm>>
        %dma_wait3A_51 = tpu.memref_slice %arg3[%mul3A_4] : memref<524288xi32, #tpu.memory_space<hbm>> -> memref<16xi32, #tpu.memory_space<hbm>>
        tpu.wait_dma2 semaphore(%run_scoped3A : memref<!tpu.dma_semaphore, #tpu.memory_space<semaphore_mem>>) src(%dma_wait3A_51 : memref<16xi32, #tpu.memory_space<hbm>>) dst(%arg8 : memref<16xi32, #tpu.memory_space<vmem>>)
        tpu.yield
      }) : () -> ()
      %broadcast_in_dim3A = arith.constant 0 : i32
      %broadcast_in_dim3A_5 = vector.broadcast %broadcast_in_dim3A : i32 to vector<16xi32>
      %broadcast_in_dim3A_6 = arith.constant 0 : i32
      %broadcast_in_dim3A_7 = vector.broadcast %broadcast_in_dim3A_6 : i32 to vector<16xi32>
      %scan3A = arith.constant 0 : i32
      %scan3A_8 = arith.constant 4096 : i32
      %scan3A_9 = arith.addi %scan3A, %scan3A_8 : i32
      %scan3A_10 = arith.constant 1 : i32
      %scan3A_11:2 = scf.for %scan3A_50 = %scan3A to %scan3A_9 step %scan3A_10 iter_args(%scan3A_51 = %broadcast_in_dim3A_5, %scan3A_52 = %broadcast_in_dim3A_7) -> (vector<16xi32>, vector<16xi32>)  : i32 {
        %mul3A_53 = arith.constant 16 : i32
        %mul3A_54 = arith.muli %scan3A_50, %mul3A_53 : i32
        %get3A = arith.index_cast %mul3A_54 : i32 to index
        %get3A_55 = tpu.vector_load %arg5[%get3A] {strides = array<i32>} : memref<65536xi32, #tpu.memory_space<vmem>>, vector<16xi32>,
        %and3A = arith.constant 1 : i32
        %and3A_56 = vector.broadcast %and3A : i32 to vector<16xi32>
        %and3A_57 = arith.andi %get3A_55, %and3A_56 : vector<16xi32>
        %add3A_58 = arith.addi %scan3A_51, %and3A_57 : vector<16xi32>
        %shift_right_arithmetic3A = arith.constant 1 : i32
        %shift_right_arithmetic3A_59 = vector.broadcast %shift_right_arithmetic3A : i32 to vector<16xi32>
        %shift_right_arithmetic3A_60 = arith.shrsi %get3A_55, %shift_right_arithmetic3A_59 : vector<16xi32>
        %and3A_61 = arith.andi %shift_right_arithmetic3A_60, %get3A_55 : vector<16xi32>
        %and3A_62 = arith.constant 1 : i32
        %and3A_63 = vector.broadcast %and3A_62 : i32 to vector<16xi32>
        %and3A_64 = arith.andi %and3A_61, %and3A_63 : vector<16xi32>
        %add3A_65 = arith.addi %scan3A_52, %and3A_64 : vector<16xi32>
        scf.yield %add3A_58, %add3A_65 : vector<16xi32>, vector<16xi32>
      }
      %scan3A_12 = arith.constant 4096 : i32
      %reduce_sum3A = arith.constant true
      %reduce_sum3A_13 = vector.broadcast %reduce_sum3A : i1 to vector<16xi1>
      %reduce_sum3A_14 = tpu.scan <sum>, %scan3A_11#0 masked %reduce_sum3A_13 : vector<16xi32>, vector<16xi1> -> vector<16xi32>
      %reduce_sum3A_15 = vector.extract %reduce_sum3A_14[15] : i32 from vector<16xi32>
      %reduce_sum3A_16 = arith.constant true
      %reduce_sum3A_17 = vector.broadcast %reduce_sum3A_16 : i1 to vector<16xi1>
      %reduce_sum3A_18 = tpu.scan <sum>, %scan3A_11#1 masked %reduce_sum3A_17 : vector<16xi32>, vector<16xi1> -> vector<16xi32>
      %reduce_sum3A_19 = vector.extract %reduce_sum3A_18[15] : i32 from vector<16xi32>
      %lt3A_20 = arith.constant 512 : i32
      %lt3A_21 = arith.cmpi slt, %reduce_sum3A_15, %lt3A_20 : i32
      %convert_element_type3A_22 = arith.extui %lt3A_21 : i1 to i32
      %cond3A_23 = arith.constant 0 : i32
      %cond3A_24 = arith.cmpi ne, %convert_element_type3A_22, %cond3A_23 : i32
      scf.if %cond3A_24 {
        %sub3A_50 = arith.constant 512 : i32
        %sub3A_51 = arith.subi %sub3A_50, %reduce_sum3A_15 : i32
        %scan3A_52 = arith.constant 0 : i32
        %scan3A_53 = arith.constant 0 : i32
        %scan3A_54 = arith.constant 4096 : i32
        %scan3A_55 = arith.addi %scan3A_53, %scan3A_54 : i32
        %scan3A_56 = arith.constant 1 : i32
        %scan3A_57 = scf.for %scan3A_59 = %scan3A_53 to %scan3A_55 step %scan3A_56 iter_args(%scan3A_60 = %scan3A_52) -> (i32)  : i32 {
          %mul3A_61 = arith.constant 16 : i32
          %mul3A_62 = arith.muli %scan3A_59, %mul3A_61 : i32
          %get3A = arith.index_cast %mul3A_62 : i32 to index
          %get3A_63 = tpu.vector_load %arg5[%get3A] {strides = array<i32>} : memref<65536xi32, #tpu.memory_space<vmem>>, vector<16xi32>,
          %and3A = arith.constant 1 : i32
          %and3A_64 = vector.broadcast %and3A : i32 to vector<16xi32>
          %and3A_65 = arith.andi %get3A_63, %and3A_64 : vector<16xi32>
          %sub3A_66 = arith.constant 1 : i32
          %sub3A_67 = vector.broadcast %sub3A_66 : i32 to vector<16xi32>
          %sub3A_68 = arith.subi %sub3A_67, %and3A_65 : vector<16xi32>
          %broadcast_in_dim3A_69 = arith.constant true
          %broadcast_in_dim3A_70 = vector.broadcast %broadcast_in_dim3A_69 : i1 to vector<16xi1>
          %masked_cumsum3A = tpu.scan <sum>, %sub3A_68 masked %broadcast_in_dim3A_70 : vector<16xi32>, vector<16xi1> -> vector<16xi32>
          %add3A_71 = vector.broadcast %scan3A_60 : i32 to vector<16xi32>
          %add3A_72 = arith.addi %add3A_71, %masked_cumsum3A : vector<16xi32>
          %le3A = vector.broadcast %sub3A_51 : i32 to vector<16xi32>
          %le3A_73 = arith.cmpi sle, %add3A_72, %le3A : vector<16xi32>
          %eq3A = arith.constant 1 : i32
          %eq3A_74 = vector.broadcast %eq3A : i32 to vector<16xi32>
          %eq3A_75 = arith.cmpi eq, %sub3A_68, %eq3A_74 : vector<16xi32>
          %and3A_76 = arith.andi %le3A_73, %eq3A_75 : vector<16xi1>
          %jit3A = arith.constant 1 : i32
          %jit3A_77 = arith.constant 0 : i32
          %broadcast_in_dim3A_78 = vector.broadcast %jit3A : i32 to vector<16xi32>
          %broadcast_in_dim3A_79 = vector.broadcast %jit3A_77 : i32 to vector<16xi32>
          %select_n3A = arith.select %and3A_76, %broadcast_in_dim3A_78, %broadcast_in_dim3A_79 : vector<16xi1>, vector<16xi32>
          %or3A = arith.ori %get3A_63, %select_n3A : vector<16xi32>
          %mul3A_80 = arith.constant 16 : i32
          %mul3A_81 = arith.muli %scan3A_59, %mul3A_80 : i32
          %swap3A = arith.index_cast %mul3A_81 : i32 to index
          %swap3A_82 = tpu.vector_load %arg5[%swap3A] {strides = array<i32>} : memref<65536xi32, #tpu.memory_space<vmem>>, vector<16xi32>,
          tpu.vector_store %arg5[%swap3A], %or3A {strides = array<i32>} : memref<65536xi32, #tpu.memory_space<vmem>>, vector<16xi32>,
          %reduce_sum3A_83 = arith.constant true
          %reduce_sum3A_84 = vector.broadcast %reduce_sum3A_83 : i1 to vector<16xi1>
          %reduce_sum3A_85 = tpu.scan <sum>, %sub3A_68 masked %reduce_sum3A_84 : vector<16xi32>, vector<16xi1> -> vector<16xi32>
          %reduce_sum3A_86 = vector.extract %reduce_sum3A_85[15] : i32 from vector<16xi32>
          %add3A_87 = arith.addi %scan3A_60, %reduce_sum3A_86 : i32
          scf.yield %add3A_87 : i32
        }
        %scan3A_58 = arith.constant 4096 : i32
      } else {
      }
      %max3A = arith.constant 512 : i32
      %max3A_25 = arith.maxsi %reduce_sum3A_15, %max3A : i32
      %sub3A = arith.subi %max3A_25, %reduce_sum3A_19 : i32
      %min3A = arith.constant 128 : i32
      %min3A_26 = arith.minsi %min3A, %reduce_sum3A_19 : i32
      %sub3A_27 = arith.constant 512 : i32
      %sub3A_28 = arith.subi %sub3A_27, %min3A_26 : i32
      %while3A = arith.constant 0 : i32
      %while3A_29 = arith.constant 0 : i32
      %while3A_30 = arith.constant 0 : i32
      %while3A_31:3 = scf.while (%while3A_50 = %while3A, %while3A_51 = %while3A_29, %while3A_52 = %while3A_30) : (i32, i32, i32) -> (i32, i32, i32) {
        %lt3A_53 = arith.constant 32 : i32
        %lt3A_54 = arith.cmpi slt, %while3A_50, %lt3A_53 : i32
        %ge3A = arith.cmpi sge, %while3A_51, %min3A_26 : i32
        %ge3A_55 = arith.cmpi sge, %while3A_52, %sub3A_28 : i32
        %and3A = arith.andi %ge3A, %ge3A_55 : i1
        %not3A = arith.constant true
        %not3A_56 = arith.xori %and3A, %not3A : i1
        %and3A_57 = arith.andi %lt3A_54, %not3A_56 : i1
        scf.condition(%and3A_57) %while3A_50, %while3A_51, %while3A_52 : i32, i32, i32
      } do {
      ^bb0(%while3A_50: i32, %while3A_51: i32, %while3A_52: i32):
        %add3A_53 = arith.constant 1 : i32
        %add3A_54 = arith.addi %while3A_50, %add3A_53 : i32
        %mul3A_55 = arith.constant 2048 : i32
        %mul3A_56 = arith.muli %add3A_54, %mul3A_55 : i32
        %sub3A_57 = arith.constant 65536 : i32
        %sub3A_58 = arith.subi %sub3A_57, %mul3A_56 : i32
        %add3A_59 = arith.addi %mul3A_4, %sub3A_58 : i32
        "tpu.region"() ({
          %run_scoped3A = tpu.sem_alloc : memref<!tpu.dma_semaphore, #tpu.memory_space<semaphore_mem>>
          %dma_start3A = tpu.memref_slice %arg3[%add3A_59] : memref<524288xi32, #tpu.memory_space<hbm>> -> memref<2048xi32, #tpu.memory_space<hbm>>
          %dma_start3A_68 = tpu.memref_slice %arg3[%add3A_59] : memref<524288xi32, #tpu.memory_space<hbm>> -> memref<2048xi32, #tpu.memory_space<hbm>>
          tpu.enqueue_dma source(%dma_start3A_68 : memref<2048xi32, #tpu.memory_space<hbm>>) target(%arg6 : memref<2048xi32, #tpu.memory_space<vmem>>) target_semaphore(%run_scoped3A : memref<!tpu.dma_semaphore, #tpu.memory_space<semaphore_mem>>)
          %dma_wait3A = tpu.memref_slice %arg3[%add3A_59] : memref<524288xi32, #tpu.memory_space<hbm>> -> memref<2048xi32, #tpu.memory_space<hbm>>
          %dma_wait3A_69 = tpu.memref_slice %arg3[%add3A_59] : memref<524288xi32, #tpu.memory_space<hbm>> -> memref<2048xi32, #tpu.memory_space<hbm>>
          tpu.wait_dma2 semaphore(%run_scoped3A : memref<!tpu.dma_semaphore, #tpu.memory_space<semaphore_mem>>) src(%dma_wait3A_69 : memref<2048xi32, #tpu.memory_space<hbm>>) dst(%arg6 : memref<2048xi32, #tpu.memory_space<vmem>>)
          tpu.yield
        }) : () -> ()
        %scan3A_60 = arith.constant 0 : i32
        %scan3A_61 = arith.constant 128 : i32
        %scan3A_62 = arith.addi %scan3A_60, %scan3A_61 : i32
        %scan3A_63 = arith.constant 1 : i32
        %scan3A_64:2 = scf.for %scan3A_68 = %scan3A_60 to %scan3A_62 step %scan3A_63 iter_args(%scan3A_69 = %while3A_51, %scan3A_70 = %while3A_52) -> (i32, i32)  : i32 {
          %add3A_71 = arith.constant 1 : i32
          %add3A_72 = arith.addi %scan3A_68, %add3A_71 : i32
          %mul3A_73 = arith.constant 16 : i32
          %mul3A_74 = arith.muli %add3A_72, %mul3A_73 : i32
          %sub3A_75 = arith.constant 2048 : i32
          %sub3A_76 = arith.subi %sub3A_75, %mul3A_74 : i32
          %get3A = arith.index_cast %sub3A_76 : i32 to index
          %get3A_77 = tpu.vector_load %arg6[%get3A] {strides = array<i32>} : memref<2048xi32, #tpu.memory_space<vmem>>, vector<16xi32>,
          %rev3A = arith.constant 15 : i32
          %rev3A_78 = vector.broadcast %rev3A : i32 to vector<16xi32>
          %rev3A_79 = tpu.iota {dimensions = array<i32: 0>} : vector<16xi32>
          %rev3A_80 = arith.subi %rev3A_78, %rev3A_79 : vector<16xi32>
          %rev3A_81 = tpu.dynamic_gather %get3A_77[%rev3A_80] in [0] : vector<16xi32>, vector<16xi32> -> vector<16xi32>
          %gather3A = tpu.vector_load_idx %arg5[%rev3A_81] : memref<65536xi32, #tpu.memory_space<vmem>>[vector<16xi32>], vector<16xi32>,
          %shift_right_arithmetic3A = arith.constant 1 : i32
          %shift_right_arithmetic3A_82 = vector.broadcast %shift_right_arithmetic3A : i32 to vector<16xi32>
          %shift_right_arithmetic3A_83 = arith.shrsi %gather3A, %shift_right_arithmetic3A_82 : vector<16xi32>
          %and3A = arith.andi %shift_right_arithmetic3A_83, %gather3A : vector<16xi32>
          %and3A_84 = arith.constant 1 : i32
          %and3A_85 = vector.broadcast %and3A_84 : i32 to vector<16xi32>
          %and3A_86 = arith.andi %and3A, %and3A_85 : vector<16xi32>
          %and3A_87 = arith.constant 1 : i32
          %and3A_88 = vector.broadcast %and3A_87 : i32 to vector<16xi32>
          %and3A_89 = arith.andi %gather3A, %and3A_88 : vector<16xi32>
          %sub3A_90 = arith.subi %and3A_89, %and3A_86 : vector<16xi32>
          %broadcast_in_dim3A_91 = arith.constant true
          %broadcast_in_dim3A_92 = vector.broadcast %broadcast_in_dim3A_91 : i1 to vector<16xi1>
          %masked_cumsum3A = tpu.scan <sum>, %and3A_86 masked %broadcast_in_dim3A_92 : vector<16xi32>, vector<16xi1> -> vector<16xi32>
          %add3A_93 = vector.broadcast %scan3A_69 : i32 to vector<16xi32>
          %add3A_94 = arith.addi %add3A_93, %masked_cumsum3A : vector<16xi32>
          %broadcast_in_dim3A_95 = arith.constant true
          %broadcast_in_dim3A_96 = vector.broadcast %broadcast_in_dim3A_95 : i1 to vector<16xi1>
          %masked_cumsum3A_97 = tpu.scan <sum>, %sub3A_90 masked %broadcast_in_dim3A_96 : vector<16xi32>, vector<16xi1> -> vector<16xi32>
          %add3A_98 = vector.broadcast %scan3A_70 : i32 to vector<16xi32>
          %add3A_99 = arith.addi %add3A_98, %masked_cumsum3A_97 : vector<16xi32>
          %le3A = vector.broadcast %min3A_26 : i32 to vector<16xi32>
          %le3A_100 = arith.cmpi sle, %add3A_94, %le3A : vector<16xi32>
          %jit3A = arith.constant 0 : i32
          %broadcast_in_dim3A_101 = vector.broadcast %jit3A : i32 to vector<16xi32>
          %select_n3A = arith.select %le3A_100, %and3A_86, %broadcast_in_dim3A_101 : vector<16xi1>, vector<16xi32>
          %le3A_102 = vector.broadcast %sub3A_28 : i32 to vector<16xi32>
          %le3A_103 = arith.cmpi sle, %add3A_99, %le3A_102 : vector<16xi32>
          %jit3A_104 = arith.constant 0 : i32
          %broadcast_in_dim3A_105 = vector.broadcast %jit3A_104 : i32 to vector<16xi32>
          %select_n3A_106 = arith.select %le3A_103, %sub3A_90, %broadcast_in_dim3A_105 : vector<16xi1>, vector<16xi32>
          %or3A = arith.ori %select_n3A, %select_n3A_106 : vector<16xi32>
          %shift_left3A = arith.constant 2 : i32
          %shift_left3A_107 = vector.broadcast %shift_left3A : i32 to vector<16xi32>
          %shift_left3A_108 = arith.shli %or3A, %shift_left3A_107 : vector<16xi32>
          %or3A_109 = arith.ori %gather3A, %shift_left3A_108 : vector<16xi32>
          tpu.vector_store_idx %arg5[%rev3A_81], %or3A_109 : memref<65536xi32, #tpu.memory_space<vmem>>[vector<16xi32>], vector<16xi32>,
          %reduce_sum3A_110 = arith.constant true
          %reduce_sum3A_111 = vector.broadcast %reduce_sum3A_110 : i1 to vector<16xi1>
          %reduce_sum3A_112 = tpu.scan <sum>, %and3A_86 masked %reduce_sum3A_111 : vector<16xi32>, vector<16xi1> -> vector<16xi32>
          %reduce_sum3A_113 = vector.extract %reduce_sum3A_112[15] : i32 from vector<16xi32>
          %add3A_114 = arith.addi %scan3A_69, %reduce_sum3A_113 : i32
          %reduce_sum3A_115 = arith.constant true
          %reduce_sum3A_116 = vector.broadcast %reduce_sum3A_115 : i1 to vector<16xi1>
          %reduce_sum3A_117 = tpu.scan <sum>, %sub3A_90 masked %reduce_sum3A_116 : vector<16xi32>, vector<16xi1> -> vector<16xi32>
          %reduce_sum3A_118 = vector.extract %reduce_sum3A_117[15] : i32 from vector<16xi32>
          %add3A_119 = arith.addi %scan3A_70, %reduce_sum3A_118 : i32
          scf.yield %add3A_114, %add3A_119 : i32, i32
        }
        %scan3A_65 = arith.constant 128 : i32
        %add3A_66 = arith.constant 1 : i32
        %add3A_67 = arith.addi %while3A_50, %add3A_66 : i32
        scf.yield %add3A_67, %scan3A_64#0, %scan3A_64#1 : i32, i32, i32
      }
      %lt3A_32 = arith.cmpi slt, %sub3A, %sub3A_28 : i32
      %convert_element_type3A_33 = arith.extui %lt3A_32 : i1 to i32
      %cond3A_34 = arith.constant 0 : i32
      %cond3A_35 = arith.cmpi ne, %convert_element_type3A_33, %cond3A_34 : i32
      scf.if %cond3A_35 {
        %get3A = arith.constant 0 : index
        %get3A_50 = tpu.vector_load %arg8[%get3A] {strides = array<i32>} : memref<16xi32, #tpu.memory_space<vmem>>, vector<16xi32>,
        %gather3A = tpu.vector_load_idx %arg5[%get3A_50] : memref<65536xi32, #tpu.memory_space<vmem>>[vector<16xi32>], vector<16xi32>,
        %or3A = arith.constant 4 : i32
        %or3A_51 = vector.broadcast %or3A : i32 to vector<16xi32>
        %or3A_52 = arith.ori %gather3A, %or3A_51 : vector<16xi32>
        %eq3A = arith.constant 0 : i32
        %eq3A_53 = vector.broadcast %eq3A : i32 to vector<16xi32>
        %eq3A_54 = arith.cmpi eq, %iota3A, %eq3A_53 : vector<16xi32>
        tpu.vector_store_idx %arg5[%get3A_50], %or3A_52 masked %eq3A_54 : memref<65536xi32, #tpu.memory_space<vmem>>[vector<16xi32>], vector<16xi32>, vector<16xi1>
      } else {
      }
      %scan3A_36 = arith.constant 0 : i32
      %scan3A_37 = arith.constant 0 : i32
      %scan3A_38 = arith.constant 4096 : i32
      %scan3A_39 = arith.addi %scan3A_37, %scan3A_38 : i32
      %scan3A_40 = arith.constant 1 : i32
      %scan3A_41 = scf.for %scan3A_50 = %scan3A_37 to %scan3A_39 step %scan3A_40 iter_args(%scan3A_51 = %scan3A_36) -> (i32)  : i32 {
        %mul3A_52 = arith.constant 16 : i32
        %mul3A_53 = arith.muli %scan3A_50, %mul3A_52 : i32
        %get3A = arith.index_cast %mul3A_53 : i32 to index
        %get3A_54 = tpu.vector_load %arg5[%get3A] {strides = array<i32>} : memref<65536xi32, #tpu.memory_space<vmem>>, vector<16xi32>,
        %shift_right_arithmetic3A = arith.constant 2 : i32
        %shift_right_arithmetic3A_55 = vector.broadcast %shift_right_arithmetic3A : i32 to vector<16xi32>
        %shift_right_arithmetic3A_56 = arith.shrsi %get3A_54, %shift_right_arithmetic3A_55 : vector<16xi32>
        %and3A = arith.constant 1 : i32
        %and3A_57 = vector.broadcast %and3A : i32 to vector<16xi32>
        %and3A_58 = arith.andi %shift_right_arithmetic3A_56, %and3A_57 : vector<16xi32>
        %mul3A_59 = arith.constant 16 : i32
        %mul3A_60 = arith.muli %scan3A_50, %mul3A_59 : i32
        %add3A_61 = vector.broadcast %mul3A_60 : i32 to vector<16xi32>
        %add3A_62 = arith.addi %iota3A, %add3A_61 : vector<16xi32>
        %eq3A = arith.constant 1 : i32
        %eq3A_63 = vector.broadcast %eq3A : i32 to vector<16xi32>
        %eq3A_64 = arith.cmpi eq, %and3A_58, %eq3A_63 : vector<16xi32>
        %swap3A = arith.index_cast %scan3A_51 : i32 to index
        %swap3A_65 = tpu.vector_load %arg7[%swap3A] masked %eq3A_64 {strides = array<i32>} : memref<528xi32, #tpu.memory_space<vmem>>, vector<16xi32>, vector<16xi1>
        tpu.vector_store %arg7[%swap3A], %add3A_62 masked %eq3A_64 {strides = array<i32>} : memref<528xi32, #tpu.memory_space<vmem>>, vector<16xi32>, vector<16xi1>
        %reduce_sum3A_66 = arith.constant true
        %reduce_sum3A_67 = vector.broadcast %reduce_sum3A_66 : i1 to vector<16xi1>
        %reduce_sum3A_68 = tpu.scan <sum>, %and3A_58 masked %reduce_sum3A_67 : vector<16xi32>, vector<16xi1> -> vector<16xi32>
        %reduce_sum3A_69 = vector.extract %reduce_sum3A_68[15] : i32 from vector<16xi32>
        %add3A_70 = arith.addi %scan3A_51, %reduce_sum3A_69 : i32
        scf.yield %add3A_70 : i32
      }
      %scan3A_42 = arith.constant 4096 : i32
      %lt3A_43 = arith.constant 512 : i32
      %lt3A_44 = arith.cmpi slt, %scan3A_41, %lt3A_43 : i32
      %convert_element_type3A_45 = arith.extui %lt3A_44 : i1 to i32
      %cond3A_46 = arith.constant 0 : i32
      %cond3A_47 = arith.cmpi ne, %convert_element_type3A_45, %cond3A_46 : i32
      scf.if %cond3A_47 {
        %sub3A_50 = arith.constant 512 : i32
        %sub3A_51 = arith.subi %sub3A_50, %scan3A_41 : i32
        %scan3A_52 = arith.constant 0 : i32
        %scan3A_53 = arith.constant 0 : i32
        %scan3A_54 = arith.constant 4096 : i32
        %scan3A_55 = arith.addi %scan3A_53, %scan3A_54 : i32
        %scan3A_56 = arith.constant 1 : i32
        %scan3A_57 = scf.for %scan3A_59 = %scan3A_53 to %scan3A_55 step %scan3A_56 iter_args(%scan3A_60 = %scan3A_52) -> (i32)  : i32 {
          %mul3A_61 = arith.constant 16 : i32
          %mul3A_62 = arith.muli %scan3A_59, %mul3A_61 : i32
          %get3A = arith.index_cast %mul3A_62 : i32 to index
          %get3A_63 = tpu.vector_load %arg5[%get3A] {strides = array<i32>} : memref<65536xi32, #tpu.memory_space<vmem>>, vector<16xi32>,
          %shift_right_arithmetic3A = arith.constant 2 : i32
          %shift_right_arithmetic3A_64 = vector.broadcast %shift_right_arithmetic3A : i32 to vector<16xi32>
          %shift_right_arithmetic3A_65 = arith.shrsi %get3A_63, %shift_right_arithmetic3A_64 : vector<16xi32>
          %and3A = arith.constant 1 : i32
          %and3A_66 = vector.broadcast %and3A : i32 to vector<16xi32>
          %and3A_67 = arith.andi %shift_right_arithmetic3A_65, %and3A_66 : vector<16xi32>
          %sub3A_68 = arith.constant 1 : i32
          %sub3A_69 = vector.broadcast %sub3A_68 : i32 to vector<16xi32>
          %sub3A_70 = arith.subi %sub3A_69, %and3A_67 : vector<16xi32>
          %broadcast_in_dim3A_71 = arith.constant true
          %broadcast_in_dim3A_72 = vector.broadcast %broadcast_in_dim3A_71 : i1 to vector<16xi1>
          %masked_cumsum3A = tpu.scan <sum>, %sub3A_70 masked %broadcast_in_dim3A_72 : vector<16xi32>, vector<16xi1> -> vector<16xi32>
          %add3A_73 = vector.broadcast %scan3A_60 : i32 to vector<16xi32>
          %add3A_74 = arith.addi %add3A_73, %masked_cumsum3A : vector<16xi32>
          %le3A = vector.broadcast %sub3A_51 : i32 to vector<16xi32>
          %le3A_75 = arith.cmpi sle, %add3A_74, %le3A : vector<16xi32>
          %convert_element_type3A_76 = arith.extui %le3A_75 : vector<16xi1> to vector<16xi32>
          %mul3A_77 = arith.muli %sub3A_70, %convert_element_type3A_76 : vector<16xi32>
          %add3A_78 = arith.addi %scan3A_41, %scan3A_60 : i32
          %mul3A_79 = arith.constant 16 : i32
          %mul3A_80 = arith.muli %scan3A_59, %mul3A_79 : i32
          %add3A_81 = vector.broadcast %mul3A_80 : i32 to vector<16xi32>
          %add3A_82 = arith.addi %iota3A, %add3A_81 : vector<16xi32>
          %eq3A = arith.constant 1 : i32
          %eq3A_83 = vector.broadcast %eq3A : i32 to vector<16xi32>
          %eq3A_84 = arith.cmpi eq, %mul3A_77, %eq3A_83 : vector<16xi32>
          %swap3A = arith.index_cast %add3A_78 : i32 to index
          %swap3A_85 = tpu.vector_load %arg7[%swap3A] masked %eq3A_84 {strides = array<i32>} : memref<528xi32, #tpu.memory_space<vmem>>, vector<16xi32>, vector<16xi1>
          tpu.vector_store %arg7[%swap3A], %add3A_82 masked %eq3A_84 {strides = array<i32>} : memref<528xi32, #tpu.memory_space<vmem>>, vector<16xi32>, vector<16xi1>
          %reduce_sum3A_86 = arith.constant true
          %reduce_sum3A_87 = vector.broadcast %reduce_sum3A_86 : i1 to vector<16xi1>
          %reduce_sum3A_88 = tpu.scan <sum>, %mul3A_77 masked %reduce_sum3A_87 : vector<16xi32>, vector<16xi1> -> vector<16xi32>
          %reduce_sum3A_89 = vector.extract %reduce_sum3A_88[15] : i32 from vector<16xi32>
          %add3A_90 = arith.addi %scan3A_60, %reduce_sum3A_89 : i32
          scf.yield %add3A_90 : i32
        }
        %scan3A_58 = arith.constant 4096 : i32
      } else {
      }
      %mul3A_48 = arith.constant 512 : i32
      %mul3A_49 = arith.muli %add3A, %mul3A_48 : i32
      "tpu.region"() ({
        %run_scoped3A = tpu.sem_alloc : memref<!tpu.dma_semaphore, #tpu.memory_space<semaphore_mem>>
        %dma_start3A = arith.constant 0 : i32
        %dma_start3A_50 = tpu.memref_slice %arg7[%dma_start3A] : memref<528xi32, #tpu.memory_space<vmem>> -> memref<512xi32, #tpu.memory_space<vmem>>
        %dma_start3A_51 = tpu.memref_slice %arg4[%mul3A_49] : memref<4096xi32, #tpu.memory_space<hbm>> -> memref<512xi32, #tpu.memory_space<hbm>>
        %dma_start3A_52 = tpu.memref_slice %arg4[%mul3A_49] : memref<4096xi32, #tpu.memory_space<hbm>> -> memref<512xi32, #tpu.memory_space<hbm>>
        %dma_start3A_53 = arith.constant 0 : i32
        %dma_start3A_54 = tpu.memref_slice %arg7[%dma_start3A_53] : memref<528xi32, #tpu.memory_space<vmem>> -> memref<512xi32, #tpu.memory_space<vmem>>
        tpu.enqueue_dma source(%dma_start3A_54 : memref<512xi32, #tpu.memory_space<vmem>>) target(%dma_start3A_52 : memref<512xi32, #tpu.memory_space<hbm>>) target_semaphore(%run_scoped3A : memref<!tpu.dma_semaphore, #tpu.memory_space<semaphore_mem>>)
        %dma_wait3A = arith.constant 0 : i32
        %dma_wait3A_55 = tpu.memref_slice %arg7[%dma_wait3A] : memref<528xi32, #tpu.memory_space<vmem>> -> memref<512xi32, #tpu.memory_space<vmem>>
        %dma_wait3A_56 = tpu.memref_slice %arg4[%mul3A_49] : memref<4096xi32, #tpu.memory_space<hbm>> -> memref<512xi32, #tpu.memory_space<hbm>>
        %dma_wait3A_57 = tpu.memref_slice %arg4[%mul3A_49] : memref<4096xi32, #tpu.memory_space<hbm>> -> memref<512xi32, #tpu.memory_space<hbm>>
        %dma_wait3A_58 = arith.constant 0 : i32
        %dma_wait3A_59 = tpu.memref_slice %arg7[%dma_wait3A_58] : memref<528xi32, #tpu.memory_space<vmem>> -> memref<512xi32, #tpu.memory_space<vmem>>
        tpu.wait_dma2 semaphore(%run_scoped3A : memref<!tpu.dma_semaphore, #tpu.memory_space<semaphore_mem>>) src(%dma_wait3A_59 : memref<512xi32, #tpu.memory_space<vmem>>) dst(%dma_wait3A_57 : memref<512xi32, #tpu.memory_space<hbm>>)
        tpu.yield
      }) : () -> ()
    } else {
    }
    return
  }
}

</mosaic_0001>

<sc_bundles>
// kernel: kernel.3.cloned.1.call-start
scs
__scs_entry_jumppad:
0x0: {  	(pc) =	sbr.rel $0x88, $3  }
0x1: {  	(tag) =	ssettag $0x0;
	lr =	simm.s32 $0x1  }
0x2: {  	[smem:$0x3F9E] =	sst lr;
	_ =	strace $0xD0000000  }
0x3: {  	_ = 	snop  }
0x4: {  	_ = 	snop  }
0x5: {  	_ = 	snop  }
0x6: {  	_ = 	snop  }
0x7: {  	_ = 	snop  }
__scs_overlays_trampoline_lowered:
0x8: {  	[smem:$0x3FAD] =	sst s0  }
0x9: {  	[smem:$0x3FAE] =	sst s1  }
0xa: {  	[smem:$0x3FAF] =	sst s2  }
0xb: {  	[smem:$0x3FB0] =	sst s3  }
0xc: {  	[smem:$0x3FB1] =	sst s4  }
0xd: {  	[smem:$0x3FB2] =	sst s5  }
0xe: {  	[smem:$0x3FB3] =	sst s6  }
0xf: {  	[smem:$0x3FB4] =	sst s7  }
0x10: {  	[smem:$0x3FB5] =	sst s8  }
0x11: {  	[smem:$0x3FB6] =	sst s9;
	s0 =	simm.s32 @!p0 $0x0  }
0x12: {  	s1 =	sld [smem:$0x3F9C];
	s0 =	simm.s32 @p0 $0x1  }
0x13: {  	[smem:$0x3FB7] =	sst s0;
	s0 =	simm.s32 @!p1 $0x0  }
0x14: {  	s2 =	sld [smem:$0x3F9B];
	s0 =	simm.s32 @p1 $0x1  }
0x15: {  	[smem:$0x3FB8] =	sst s0;
	s0 =	simm.s32 @!p2 $0x0  }
0x16: {  	s3 =	sld [smem:$0x3FDB];
	s0 =	simm.s32 @p2 $0x1  }
0x17: {  	s4 =	simm.s32 $0x1BF5;
	[smem:$0x3FBA] =	sst s0  }
0x18: {  	s0 =	sld [smem:$0x3F9D];
	_ =	swait.ge [sflag:s4], $0x0  }
0x19: {  	s7 =	sld [smem:$0x3F9E]  }
0x1a: {  	s8 =	sadd.s32 $0xFFFFE003, lr  }
0x1b: {  	s9 =	sadd.s32 $0xFFFFFEF7, lr;
	s5 =	simm.s32 $0xFFFFFFFF;
	p2 =	slt.u32 s8, $0xFFFFF086  }
0x1c: {  	p1 =	slt.u32 s9, $0xF7A;
	s5 =	simm.s32 @!p2 $0x0  }
0x1d: {  	s5 =	simm.s32 @p1 $0x1;
	p0 =	seq.s32 s7, s2  }
0x1e: {  	s7 =	smul.u32 @!p0 $0xF7A, s2;
	p2 =	seq.s32 @!p0 s5, $0x0  }
0x1f: {  	s9 =	smul.u32 $0xF7A, s1;
	s8 =	simm.s32 @!p0 $0x1BF5;
	p2 =	por !p2, p0  }
0x20: {  	[sflag:s8] =	ssyncset.s32 @!p0 $0xFFFFF086;
	s6 =	sadd.s32 @!p0 s3, s7;
	s7 =	simm.s32 @!p0 $0x108  }
0x21: {  	s3 =	sadd.s32 s3, s9;
	s6 =	sadd.s32 @!p0 $0x88, s6;
	s7 =	simm.s32 @p2 $0x1082  }
0x22: {  	[simem:s7], [sflag:s8] =	dma.local @!p0 [hbm:s6], $0xF7A  }
0x23: {  	s9 =	sor.u32 $0xD0000000, s2;
	s6 =	simm.s32 $0x108;
	_ =	swait.ge @!p0 [sflag:s8], $0x0  }
0x24: {  	s3 =	sadd.s32 $0x88, s3;
	s6 =	simm.s32 @!p1 $0x1082;
	[sflag:s4] =	ssyncset.s32 $0xFFFFF086  }
0x25: {  	[simem:s6], [sflag:s4] =	dma.local [hbm:s3], $0xF7A  }
0x26: {  	[smem:$0x3F9E] =	sst s1;
	(tag) =	ssettag s2;
	_ =	strace s9  }
0x27: {  	s1 =	sld [smem:$0x3FAE]  }
0x28: {  	s2 =	sld [smem:$0x3FAF]  }
0x29: {  	s4 =	sld [smem:$0x3FB1]  }
0x2a: {  	p0 =	seq.s32 s5, $0x0;
	s5 =	sld [smem:$0x3FB2]  }
0x2b: {  	s6 =	sld [smem:$0x3FB3]  }
0x2c: {  	s7 =	sld [smem:$0x3FB4]  }
0x2d: {  	s3 =	simm.s32 $0x108;
	s8 =	sld [smem:$0x3FB5]  }
0x2e: {  	s3 =	simm.s32 @!p0 $0x1082;
	s9 =	sld [smem:$0x3FB6]  }
0x2f: {  	lr =	sadd.s32 s0, s3;
	s0 =	sld [smem:$0x3FAD]  }
0x30: {  	s3 =	sld [smem:$0x3FB0]  }
0x31: {  	[smem:$0x3FB9] =	sst s10  }
0x32: {  	s10 =	sld [smem:$0x3FB7];
	_ =	sdelay $0x3  }
0x33: {  	p0 =	seq.s32 s10, $0x1;
	s10 =	sld [smem:$0x3FB9];
	_ =	sdelay $0x3  }
0x34: {  	[smem:$0x3FB9] =	sst s10  }
0x35: {  	s10 =	sld [smem:$0x3FB8];
	_ =	sdelay $0x3  }
0x36: {  	p1 =	seq.s32 s10, $0x1;
	s10 =	sld [smem:$0x3FB9];
	_ =	sdelay $0x3  }
0x37: {  	[smem:$0x3FB9] =	sst s10  }
0x38: {  	s10 =	sld [smem:$0x3FBA]  }
0x39: {  	_ = 	snop;
	(pc) =	sbr.ind lr, $3  }
0x3a: {  	_ = 	snop  }
0x3b: {  	_ = 	snop  }
0x3c: {  	p2 =	seq.s32 s10, $0x1;
	s10 =	sld [smem:$0x3FB9]  }
0x3d: {  	_ =	shalt  }
0x3e: {  	_ =	shalt  }
0x3f: {  	_ =	shalt  }
0x40: {  	_ =	shalt  }
0x41: {  	_ =	shalt  }
0x42: {  	_ =	shalt  }
0x43: {  	_ =	shalt  }
0x44: {  	_ =	shalt  }
0x45: {  	_ =	shalt  }
0x46: {  	_ =	shalt  }
0x47: {  	_ =	shalt  }
0x48: {  	_ =	shalt  }
0x49: {  	_ =	shalt  }
0x4a: {  	_ =	shalt  }
0x4b: {  	_ =	shalt  }
0x4c: {  	_ =	shalt  }
0x4d: {  	_ =	shalt  }
0x4e: {  	_ =	shalt  }
0x4f: {  	_ =	shalt  }
0x50: {  	_ =	shalt  }
0x51: {  	_ =	shalt  }
0x52: {  	_ =	shalt  }
0x53: {  	_ =	shalt  }
0x54: {  	_ =	shalt  }
0x55: {  	_ =	shalt  }
0x56: {  	_ =	shalt  }
0x57: {  	_ =	shalt  }
0x58: {  	_ =	shalt  }
0x59: {  	_ =	shalt  }
0x5a: {  	_ =	shalt  }
0x5b: {  	_ =	shalt  }
0x5c: {  	_ =	shalt  }
0x5d: {  	_ =	shalt  }
0x5e: {  	_ =	shalt  }
0x5f: {  	_ =	shalt  }
0x60: {  	_ =	shalt  }
0x61: {  	_ =	shalt  }
0x62: {  	_ =	shalt  }
0x63: {  	_ =	shalt  }
0x64: {  	_ =	shalt  }
0x65: {  	_ =	shalt  }
0x66: {  	_ =	shalt  }
0x67: {  	_ =	shalt  }
0x68: {  	_ =	shalt  }
0x69: {  	_ =	shalt  }
0x6a: {  	_ =	shalt  }
0x6b: {  	_ =	shalt  }
0x6c: {  	_ =	shalt  }
0x6d: {  	_ =	shalt  }
0x6e: {  	_ =	shalt  }
0x6f: {  	_ =	shalt  }
0x70: {  	_ =	shalt  }
0x71: {  	_ =	shalt  }
0x72: {  	_ =	shalt  }
0x73: {  	_ =	shalt  }
0x74: {  	_ =	shalt  }
0x75: {  	_ =	shalt  }
0x76: {  	_ =	shalt  }
0x77: {  	_ =	shalt  }
0x78: {  	_ =	shalt  }
0x79: {  	_ =	shalt  }
0x7a: {  	_ =	shalt  }
0x7b: {  	_ =	shalt  }
0x7c: {  	_ =	shalt  }
0x7d: {  	_ =	shalt  }
0x7e: {  	_ =	shalt  }
0x7f: {  	_ =	shalt  }
0x80: {  	_ =	shalt  }
0x81: {  	_ =	shalt  }
0x82: {  	_ =	shalt  }
0x83: {  	_ =	shalt  }
0x84: {  	_ =	shalt  }
0x85: {  	_ =	shalt  }
0x86: {  	_ =	shalt  }
0x87: {  	_ =	shalt  }
.Lfunc_end0:
.L_simem_size_0:
called_computation_lowered:
.L_overlay_start_0:
0x88: {  	s2 =	sld [smem:$0x3FD9]  }
0x89: {  	s3 =	sld [smem:$0x3FFE];
	_ =	sdelay $0x1  }
0x8a: {  	s1 =	srdreg.scid  }
0x8b: {  	s0 =	sand.u32 $0x1, s1  }
0x8c: {  	s16 =	sshll.u32 s0, $0xA;
	s2 =	sadd.s32 s3, s2  }
0x8d: {  	s2 =	sadd.s32 s2, s16  }
0x8e: {  	[smem:$0x3FC5] =	sst s2  }
0x8f: {  	_ = 	snop  }
0x90: {  	(tm) =	ssettm $0x1  }
0x91: {  	s17 =	sld [smem:$0x3FFB];
	_ =	sdelay $0x3  }
0x92: {  	_ =	strace s17  }
0x93: {  	s2 =	sld [smem:$0x3FFC];
	_ =	sdelay $0x3  }
0x94: {  	_ =	strace s2  }
0x95: {  	s2 =	sld [smem:$0x3FFD];
	_ =	sdelay $0x3  }
0x96: {  	_ =	strace s2  }
0x97: {  	_ =	strace $0x8FFFFFFF  }
0x98: {  	s18 =	sld [smem:$0x3FDB];
	_ =	sdelay $0x1  }
0x99: {  	s19 =	simm.s32 $_scs_section_size  }
0x9a: {  	s4 =	simm.s32 $_size__tile_overlayer_lowered;
	s5 =	simm.s32 $_tile_overlayer_lowered  }
0x9b: {  	s22 =	simm.s32 $0x1BFF;
	s21 =	sshll.u32 s5, $0x1;
	s2 =	sadd.s32 s19, s18  }
0x9c: {  	s6 =	simm.s32 $0x0;
	s20 =	sshll.u32 s4, $0x1;
	s4 =	sadd.s32 s21, s2  }
0x9d: {  	[timem:s6], [sflag:s22] =	dma.local [hbm:s4], s20  }
0x9e: {  	_ =	swait.ge [sflag:s22], s20  }
0x9f: {  	s3 =	ssub.s32 $0x0, s20;
	[sflag:s22] =	ssyncset.done $0x0  }
0xa0: {  	[sflag:s22] =	ssyncadd.s32 s3;
	_ =	sdelay $0x1  }
0xa1: {  	s23 =	simm.s32 $0x1B8B  }
0xa2: {  	_ =	swait.ge [sflag:s23], $0x1  }
0xa3: {  	[sflag:s23] =	ssyncset.done $0x0  }
0xa4: {  	s25 =	simm.s32 $0x1B8E;
	s24 =	sld [smem:$0x3FFE];
	[sflag:s23] =	ssyncadd.s32 $0xFFFFFFFF  }
0xa5: {  	s26 =	simm.s32 $execute0_lowered;
	[smem:$0x3FD2] =	sst s25  }
0xa6: {  	s4 =	sshll.u32 s26, $0x1;
	_ =	strace $0x80000046;
	[dreg:$0x1] =	wrdreg $0xFFFFFFFF  }
0xa7: {  	s28 =	simm.s32 $_size_execute0_lowered;
	s2 =	sadd.s32 s2, s4;
	[dreg:$0x0] =	wrdreg $0x0  }
0xa8: {  	s4 =	sshll.u32 s28, $0x1;
	[dreg:$0x2] =	wrdreg s2  }
0xa9: {  	[dreg:$0x3] =	wrdreg s4  }
0xaa: {  	[dreg:$0x4] =	wrdreg $0xC0  }
0xab: {  	_ =	task [dreg:s6], $0x5FFFF  }
0xac: {  	[dreg:$0x1] =	wrdreg $0xFFFFFFFF  }
0xad: {  	[dreg:$0x0] =	wrdreg $0x60  }
0xae: {  	[dreg:$0x2] =	wrdreg s24  }
0xaf: {  	[dreg:$0x3] =	wrdreg $0x9  }
0xb0: {  	_ =	task.clear_ibuf [dreg:s6], $0x4FFFF;
	_ =	strace $0x90000046  }
0xb1: {  	s29 =	simm.s32 $0x9;
	_ =	strace $0x80000048  }
0xb2: {  	_ =	swait.ge [sflag:s29], $0x1  }
0xb3: {  	[sflag:s29] =	ssyncadd.s32 $0xFFFFFFFF  }
0xb4: {  	_ =	strace $0x90000048  }
0xb5: {  	_ =	sfence  }
0xb6: {  	s30 =	sld [smem:$0x0];
	_ =	sdelay $0x2  }
0xb7: {  	s31 =	sshll.u32 s1, $0xD;
	s1 =	sshrl.u32 s1, $0x2  }
0xb8: {  	s3 =	sand.u32 $0x4000, s31;
	s1 =	sadd.s32 s1, s30  }
0xb9: {  	s0 =	sor.u32 s3, s0;
	s1 =	sshll.u32 s1, $0x11  }
0xba: {  	s0 =	sor.u32 s1, s0  }
0xbb: {  	s0 =	sadd.s32 $0x8F2B, s0  }
0xbc: {  	[sflag:s0] =	ssyncadd.remote.s32 $0x1  }
0xbd: {  	_ =	sfence.sel $0xFFFF  }
0xbe: {  	[dreg:$0x0] =	wrdreg $0xFFFFFFFF;
	(pc) =	sbr.abs _section_cstart, $3  }
0xbf: {  	[dreg:$0x1] =	wrdreg $0xFFFFFFFF  }
0xc0: {  	_ =	task.clear_ibuf [dreg:s6], $0x2FFFF;
	_ =	strace $0x9FFFFFFF  }
0xc1: {  	(tm) =	ssettm $0x7FFFFFFF  }
tec
execute0_lowered:
.L_overlay_start_1:
0x0: {  	(tag) =	ssettag $0x1  }
0x1: {  	s1 =	stileid.u32  }
0x2: {  	p0 =	sgt.u32 s1, $0x3  }
.Ltmp0:
0x3: {  	_ = 	snop;
	(pc) =	sbr.rel @p0 .LBB2_21-.Ltmp0, $4  }
0x4: {  	_ = 	snop  }
0x5: {  	s2 =	rddreg [dreg:$0x0];
	s3 =	simm.s32 $0x0  }
0x6: {  	[smem:$0x7FF] =	sst s3  }
0x7: {  	s0 =	rddreg [dreg:$0x1];
	_ =	strace $0x80000047  }
0x8: {  	s4 =	srdreg.scid;
	s5 =	sshll.u32 s1, $0x1  }
0x9: {  	s7 =	sadd.s32 $0x10000, s2;
	s11 =	simm.s32 $0x10000;
	s4 =	sand.u32 $0x1, s4  }
0xa: {  	s12 =	simm.s32 $0x10800;
	s13 =	simm.s32 $0x0;
	s5 =	sor.u32 s4, s5  }
.Ltmp1:
0xb: {  	s10 =	ssub.s32 $0x2, s4;
	s6 =	sshll.u32 s5, $0x6;
	(pc) =	sbr.rel .LBB2_2-.Ltmp1, $4  }
0xc: {  	v0 =	vlaneseq.u32;
	s8 =	sshll.u32 s5, $0x10;
	s9 =	sshll.u32 s5, $0xD;
	s31 =	sshrl.u32 s10, $0x1  }
0xd: {  	v2 =	vmul.u32 $0xFFFFFFFF, v0;
	s6 =	sadd.s32 s6, s2;
	s4 =	sadd.s32 s2, s9;
	s5 =	sadd.s32 $0x10000, s8  }
0xe: {  	s8 =	ssub.s32 s10, s31;
	s7 =	sadd.s32 s7, s9;
	s9 =	simm.s32 $0x1  }
0xf: {  	v1 =	vimm.s32 $0x0;
	v2 =	vadd.s32 $0xF, v2;
	s10 =	simm.s32 $0x10A80;
	s6 =	sadd.s32 $0x20000, s6;
	s8 =	smax.u32 s8, $0x1  }
.LBB2_20:
0x10: {  	s13 =	sadd.s32 $0x1, s13  }
0x11: {  	p0 =	sne.s32 s13, s8  }
.Ltmp2:
0x12: {  	_ = 	snop;
	(pc) =	sbr.rel @!p0 .LBB2_21-.Ltmp2, $4  }
0x13: {  	[hbm4b:s6+s3] =	stream.linear.scatter [tilespmem:s12], [sflag:$0x1], $0x200, $0x38;
	[tilespmem:$0x10B00] =	vst v63  }
0x14: {  	_ =	swait.ge [sflag:s9], $0x200  }
0x15: {  	[sflag:s9] =	ssyncset.done $0x0  }
0x16: {  	[sflag:s9] =	ssyncadd.s32 $0xFFFFFE00  }
.LBB2_2:
0x17: {  	s14 =	simm.s32 $0x0  }
0x18: {  	[tilespmem:s14], [sflag:$0x1] =	stream.linear.gather [hbm4b:s7+s14], $0x10000, $0x38;
	[tilespmem:$0x10B00] =	vst v63  }
0x19: {  	_ =	swait.ge [sflag:s9], $0x10000  }
0x1a: {  	[sflag:s9] =	ssyncset.done $0x0  }
0x1b: {  	[sflag:s9] =	ssyncadd.s32 $0xFFFF0000  }
0x1c: {  	[tilespmem:s10], [sflag:$0x1] =	stream.linear.gather [hbm4b:s4+s14], $0x10, $0x38;
	[tilespmem:$0x10B00] =	vst v63  }
0x1d: {  	_ =	swait.ge [sflag:s9], $0x10  }
0x1e: {  	[sflag:s9] =	ssyncset.done $0x0  }
0x1f: {  	s15 =	simm.s32 $0x0;
	[sflag:s9] =	ssyncadd.s32 $0xFFFFFFF0  }
0x20: {  	v4 =	vimm.s32 $0x0;
	v3 =	vimm.s32 $0x0;
	s14 =	simm.s32 $0x40;
	v5 =	vld [tilespmem:s15+$0x0]  }
.LBB2_3:
0x21: {  	_ =	sdelay $0x1  }
0x22: {  	p0 =	sne.s32 s14, $0x3FFC0  }
.Ltmp3:
0x23: {  	_ = 	snop;
	(pc) =	sbr.rel @p0 .LBB2_3-.Ltmp3, $4  }
0x24: {  	v7 =	vand.u32 $0x3, v5  }
0x25: {  	v6 =	vand.u32 $0x1, v5;
	vm0 =	veq.s32 v7, $0x3  }
0x26: {  	s15 =	sshra.s32 s14, $0x2;
	v4 =	vadd.s32 v4, v6;
	v6 =	vsel vm0, $0x1, v1  }
0x27: {  	s14 =	sadd.s32 $0x40, s14;
	v5 =	vld [tilespmem:s15+$0x0];
	v3 =	vadd.s32 v6, v3  }
0x28: {  	_ =	sdelay $0x3  }
0x29: {  	v6 =	vand.u32 $0x1, v5  }
0x2a: {  	v4 =	vadd.s32 v4, v6  }
0x2b: {  	v63 =	vand.u32 $0x3, v5;
	(xrf0) =	vadd.scan.msk.s32 $0xffff, v4  }
0x2c: {  	vm0 =	veq.s32 v63, $0x3  }
0x2d: {  	v5 =	vsel vm0, $0x1, v1  }
0x2e: {  	v3 =	vadd.s32 v5, v3;
	_ =	sdelay $0x2  }
0x2f: {  	(xrf0) =	vadd.scan.msk.s32 $0xffff, v3;
	v3, _, _ =	vpop (xrf0)  }
0x30: {  	(v2sf) =	vpush v3, $0xF;
	_ =	sdelay $0x4  }
0x31: {  	v3, _, _ =	vpop (xrf0)  }
0x32: {  	(v2sf) =	vpush v3, $0xF;
	_ =	sdelay $0x8  }
0x33: {  	s14 =	spop (v2sf)  }
0x34: {  	p0 =	sgt.s32 s14, $0x1FF  }
.Ltmp4:
0x35: {  	_ = 	snop;
	(pc) =	sbr.rel @p0 .LBB2_8-.Ltmp4, $2  }
0x36: {  	_ =	sdelay $0x2  }
0x37: {  	s15 =	spop (v2sf)  }
0x38: {  	s19 =	simm.s32 $0x0  }
0x39: {  	v4 =	vld [tilespmem:s19+$0x0];
	_ =	sdelay $0x4  }
0x3a: {  	v5 =	vand.u32 $0x1, v4  }
0x3b: {  	v3 =	vxor.u32 $0x1, v5  }
0x3c: {  	(xrf0) =	vadd.scan.msk.s32 $0xffff, v3;
	_ =	sdelay $0x5  }
0x3d: {  	s17 =	ssub.s32 $0x200, s14;
	s16 =	simm.s32 $0x0;
	v6, _, _ =	vpop (xrf0)  }
0x3e: {  	v3 =	vmov s17;
	v7 =	vadd.s32 s16, v6;
	(v2sf) =	vpush v6, $0xF  }
0x3f: {  	vm0 =	veq.s32 v5, $0x0;
	vm1 =	vle.s32 v7, v3  }
0x40: {  	vm0 =	vmand vm0, vm1  }
0x41: {  	v5 =	vsel vm0, $0x1, v1  }
0x42: {  	v4 =	vor.u32 v5, v4  }
0x43: {  	s18 =	simm.s32 $0x80;
	s17 =	simm.s32 $0x10;
	[tilespmem:s19+$0x0] =	vst v4  }
.LBB2_6:
0x44: {  	p0 =	sne.s32 s18, $0x3FFC0;
	v4 =	vld [tilespmem:s17+$0x0];
	_ =	sdelay $0x4  }
0x45: {  	v5 =	vand.u32 $0x1, v4  }
0x46: {  	v6 =	vxor.u32 $0x1, v5;
	vm0 =	veq.s32 v5, $0x0  }
0x47: {  	(xrf0) =	vadd.scan.msk.s32 $0xffff, v6;
	_ =	sdelay $0x1  }
0x48: {  	s19 =	spop (v2sf)  }
0x49: {  	s16 =	sadd.s32 s16, s19;
	_ =	sdelay $0x2  }
0x4a: {  	v5, _, _ =	vpop (xrf0)  }
0x4b: {  	v6 =	vadd.s32 s16, v5;
	(v2sf) =	vpush v5, $0xF  }
.Ltmp5:
0x4c: {  	vm1 =	vle.s32 v6, v3;
	(pc) =	sbr.rel @p0 .LBB2_6-.Ltmp5, $4  }
0x4d: {  	vm0 =	vmand vm0, vm1  }
0x4e: {  	v5 =	vsel vm0, $0x1, v1  }
0x4f: {  	v4 =	vor.u32 v5, v4  }
0x50: {  	[tilespmem:s17+$0x0] =	vst v4;
	s17 =	sshra.s32 s18, $0x2;
	s18 =	sadd.s32 $0x40, s18  }
0x51: {  	v4 =	vld [tilespmem:s17+$0x0];
	_ =	sdelay $0x4  }
0x52: {  	v5 =	vand.u32 $0x1, v4  }
0x53: {  	v6 =	vxor.u32 $0x1, v5  }
0x54: {  	(xrf0) =	vadd.scan.msk.s32 $0xffff, v6;
	_ =	sdelay $0x5  }
0x55: {  	v6, _, _ =	vpop (xrf0)  }
0x56: {  	(v2sf) =	vpush v6, $0xF;
	_ =	sdelay $0x7  }
0x57: {  	s18 =	spop (v2sf)  }
0x58: {  	s16 =	sadd.s32 s16, s18  }
0x59: {  	v6 =	vadd.s32 s16, v6  }
0x5a: {  	vm0 =	veq.s32 v5, $0x0;
	vm1 =	vle.s32 v6, v3  }
0x5b: {  	vm0 =	vmand vm0, vm1  }
0x5c: {  	v3 =	vsel vm0, $0x1, v1  }
0x5d: {  	v3 =	vor.u32 v3, v4  }
0x5e: {  	[tilespmem:s17+$0x0] =	vst v3;
	s31 =	spop (v2sf)  }
.LBB2_8:
0x5f: {  	p0 =	slt.s32 s15, $0x80;
	s17 =	smov.u32 s15  }
0x60: {  	s17 =	simm.s32 @!p0 $0x80  }
0x61: {  	p0 =	sgt.s32 s15, $0x0;
	s16 =	ssub.s32 $0x200, s17  }
0x62: {  	p1 =	slt.s32 @!p0 s16, $0x1  }
0x63: {  	p0 =	por p0, !p1  }
.Ltmp6:
0x64: {  	_ = 	snop;
	(pc) =	sbr.rel @!p0 .LBB2_14-.Ltmp6, $1  }
0x65: {  	_ =	sdelay $0x3  }
0x66: {  	v3 =	vmov s17;
	v4 =	vmov s16;
	s18 =	simm.s32 $0x0;
	s19 =	simm.s32 $0x0;
	s20 =	simm.s32 $0x0  }
.LBB2_11:
0x67: {  	s21 =	sxor.u32 $0xFFFFFFFF, s18  }
0x68: {  	s21 =	sshll.u32 s21, $0xB  }
0x69: {  	s21 =	sadd.s32 s21, s5  }
0x6a: {  	s21 =	sshrl.u32 s21, $0x3  }
0x6b: {  	s21 =	sadd.s32 s2, s21  }
0x6c: {  	[tilespmem:s11], [sflag:$0x1] =	stream.linear.gather [hbm4b:s21+s3], $0x800, $0x38;
	[tilespmem:$0x10B00] =	vst v63  }
0x6d: {  	_ =	swait.ge [sflag:s9], $0x800  }
0x6e: {  	[sflag:s9] =	ssyncset.done $0x0  }
0x6f: {  	s31 =	simm.s32 $0x7F0;
	[sflag:s9] =	ssyncadd.s32 $0xFFFFF800  }
0x70: {  	v5 =	vld [tilespmem:s31+$0x10000];
	_ =	sdelay $0x4  }
0x71: {  	v5 =	vperm.xlane v5, v2;
	_ =	sdelay $0x5  }
0x72: {  	v6 =	vld.idx.msk [tilespmem:v5+s3+$0x0], $0xffff;
	_ =	sdelay $0x4  }
0x73: {  	v7 =	vand.u32 $0x3, v6  }
0x74: {  	vm0 =	veq.s32 v7, $0x3  }
0x75: {  	v8 =	vand.u32 $0x1, v6;
	v7 =	vsel vm0, $0x1, v1  }
0x76: {  	v8 =	vsub.s32 v8, v7;
	(xrf0) =	vadd.scan.msk.s32 $0xffff, v7  }
0x77: {  	(xrf0) =	vadd.scan.msk.s32 $0xffff, v8;
	_ =	sdelay $0x2  }
0x78: {  	s22 =	simm.s32 $0x1F40;
	s21 =	simm.s32 $0x1F80  }
.LBB2_12:
0x79: {  	p0 =	seq.s32 s22, $0x0  }
0x7a: {  	v9, _, _ =	vpop (xrf0)  }
0x7b: {  	v10, _, _ =	vpop (xrf0);
	(v2sf) =	vpush v9, $0xF  }
0x7c: {  	v9 =	vadd.s32 s20, v9;
	v11 =	vadd.s32 s19, v10;
	(v2sf) =	vpush v10, $0xF  }
0x7d: {  	vm0 =	vgt.s32 v9, v3;
	vm1 =	vgt.s32 v11, v4  }
0x7e: {  	v7 =	vsel vm0, $0x0, v7;
	v8 =	vsel vm1, $0x0, v8  }
0x7f: {  	v7 =	vor.u32 v7, v8  }
0x80: {  	v7 =	vshll.u32 v7, $0x2  }
0x81: {  	v6 =	vor.u32 v6, v7  }
0x82: {  	s23 =	sshra.s32 s21, $0x2;
	s21 =	smov.u32 s22;
	[tilespmem:v5+s3+$0x0] =	vst.idx.msk $0xffff, v6  }
0x83: {  	v5 =	vld [tilespmem:s23+$0x10000];
	_ =	sdelay $0x4  }
0x84: {  	v5 =	vperm.xlane v5, v2;
	_ =	sdelay $0x1  }
0x85: {  	s23 =	spop (v2sf)  }
0x86: {  	s20 =	sadd.s32 s20, s23;
	s23 =	spop (v2sf)  }
0x87: {  	s19 =	sadd.s32 s19, s23;
	_ =	sdelay $0x1  }
0x88: {  	v6 =	vld.idx.msk [tilespmem:v5+s3+$0x0], $0xffff;
	_ =	sdelay $0x5  }
0x89: {  	v7 =	vand.u32 $0x3, v6  }
0x8a: {  	vm0 =	veq.s32 v7, $0x3  }
0x8b: {  	v8 =	vand.u32 $0x1, v6;
	v7 =	vsel vm0, $0x1, v1  }
.Ltmp7:
0x8c: {  	v8 =	vsub.s32 v8, v7;
	(xrf0) =	vadd.scan.msk.s32 $0xffff, v7;
	(pc) =	sbr.rel @!p0 .LBB2_12-.Ltmp7, $2  }
0x8d: {  	(xrf0) =	vadd.scan.msk.s32 $0xffff, v8;
	_ =	sdelay $0x2  }
0x8e: {  	s22 =	sadd.s32 $0xFFFFFFC0, s22  }
0x8f: {  	_ = 	snop  }
0x90: {  	v9, _, _ =	vpop (xrf0)  }
0x91: {  	v10, _, _ =	vpop (xrf0)  }
0x92: {  	v11 =	vadd.s32 s20, v9;
	v12 =	vadd.s32 s19, v10  }
0x93: {  	vm0 =	vgt.s32 v11, v3;
	vm1 =	vgt.s32 v12, v4  }
0x94: {  	v7 =	vsel vm0, $0x0, v7;
	v8 =	vsel vm1, $0x0, v8  }
0x95: {  	v7 =	vor.u32 v7, v8  }
0x96: {  	v7 =	vshll.u32 v7, $0x2  }
0x97: {  	v6 =	vor.u32 v6, v7  }
0x98: {  	s21 =	sshra.s32 s21, $0x2;
	[tilespmem:v5+s3+$0x0] =	vst.idx.msk $0xffff, v6  }
0x99: {  	v5 =	vld [tilespmem:s21+$0x10000];
	_ =	sdelay $0x4  }
0x9a: {  	v5 =	vperm.xlane v5, v2;
	_ =	sdelay $0x5  }
0x9b: {  	v6 =	vld.idx.msk [tilespmem:v5+s3+$0x0], $0xffff;
	_ =	sdelay $0x4  }
0x9c: {  	v7 =	vand.u32 $0x3, v6  }
0x9d: {  	vm13 =	veq.s32 v7, $0x3  }
0x9e: {  	v61 =	vand.u32 $0x1, v6;
	v7 =	vsel vm13, $0x1, v1  }
0x9f: {  	(v2sf) =	vpush v9, $0xF;
	v8 =	vsub.s32 v61, v7;
	(xrf0) =	vadd.scan.msk.s32 $0xffff, v7  }
0xa0: {  	(v2sf) =	vpush v10, $0xF;
	(xrf0) =	vadd.scan.msk.s32 $0xffff, v8;
	_ =	sdelay $0x4  }
0xa1: {  	v62, _, _ =	vpop (xrf0)  }
0xa2: {  	v63, _, _ =	vpop (xrf0);
	(v2sf) =	vpush v62, $0xF  }
0xa3: {  	(v2sf) =	vpush v63, $0xF;
	_ =	sdelay $0x6  }
0xa4: {  	s26 =	spop (v2sf)  }
0xa5: {  	s22 =	spop (v2sf)  }
0xa6: {  	s28 =	sadd.s32 s20, s26;
	s29 =	sadd.s32 s19, s22  }
0xa7: {  	v9 =	vadd.s32 s28, v62;
	v10 =	vadd.s32 s29, v63  }
0xa8: {  	vm14 =	vgt.s32 v9, v3;
	vm15 =	vgt.s32 v10, v4  }
0xa9: {  	v7 =	vsel vm14, $0x0, v7;
	v8 =	vsel vm15, $0x0, v8  }
0xaa: {  	v7 =	vor.u32 v7, v8  }
0xab: {  	v7 =	vshll.u32 v7, $0x2;
	s30 =	spop (v2sf)  }
0xac: {  	v6 =	vor.u32 v6, v7;
	s31 =	spop (v2sf)  }
0xad: {  	[tilespmem:v5+s3+$0x0] =	vst.idx.msk $0xffff, v6;
	s20 =	sadd.s32 s28, s30;
	s19 =	sadd.s32 s29, s31  }
0xae: {  	p0 =	slt.s32 s20, s17;
	p1 =	slt.s32 s19, s16  }
0xaf: {  	p2 =	sgt.u32 s18, $0x1E;
	p0 =	por p0, p1  }
0xb0: {  	p0 =	por p2, !p0  }
.Ltmp8:
0xb1: {  	_ = 	snop;
	(pc) =	sbr.rel @!p0 .LBB2_11-.Ltmp8, $2  }
0xb2: {  	_ =	sdelay $0x2  }
0xb3: {  	s18 =	sadd.s32 $0x1, s18  }
.LBB2_14:
0xb4: {  	p0 =	sgt.s32 s14, $0x200  }
0xb5: {  	s14 =	simm.s32 @!p0 $0x200  }
0xb6: {  	s14 =	ssub.s32 s14, s15  }
0xb7: {  	p0 =	sge.s32 s14, s16  }
0xb8: {  	v3 =	vld @!p0 [tilespmem:$0x10A80];
	_ =	sdelay $0x6  }
0xb9: {  	s14 =	simm.s32 @!p0 $0x0  }
0xba: {  	v4 =	vld.idx.msk @!p0 [tilespmem:v3+s14+$0x0], $0xffff;
	_ =	sdelay $0x4  }
0xbb: {  	v4 =	vor.u32 @!p0 $0x4, v4  }
0xbc: {  	[tilespmem:v3+s14+$0x0] =	vst.idx.msk @!p0 $0x1, v4;
	s14 =	simm.s32 $0x0  }
0xbd: {  	v3 =	vld [tilespmem:s14+$0x0];
	_ =	sdelay $0x4  }
0xbe: {  	v3 =	vshrl.u32 v3, $0x2  }
0xbf: {  	v3 =	vand.u32 $0x1, v3  }
0xc0: {  	(xrf0) =	vadd.scan.msk.s32 $0xffff, v3;
	_ =	sdelay $0x5  }
0xc1: {  	v4, _, _ =	vpop (xrf0)  }
0xc2: {  	vm0 =	veq.s32 v3, $0x1;
	v3 =	vor.u32 s14, v0;
	(v2sf) =	vpush v4, $0xF  }
0xc3: {  	s15 =	simm.s32 $0x10;
	[tilespmem:s14+$0x10800] =	vst.msk vm0, v3  }
0xc4: {  	s17 =	simm.s32 $0x10;
	s16 =	simm.s32 $0x20;
	v3 =	vld [tilespmem:s15+$0x0]  }
.LBB2_15:
0xc5: {  	p0 =	sne.s32 s16, $0xFFF0;
	_ =	sdelay $0x3  }
0xc6: {  	v3 =	vshrl.u32 v3, $0x2  }
0xc7: {  	v3 =	vand.u32 $0x1, v3  }
0xc8: {  	vm0 =	veq.s32 v3, $0x1;
	(xrf0) =	vadd.scan.msk.s32 $0xffff, v3;
	_ =	sdelay $0x4  }
.Ltmp9:
0xc9: {  	(pc) =	sbr.rel @p0 .LBB2_15-.Ltmp9, $4  }
0xca: {  	v3, _, _ =	vpop (xrf0);
	s18 =	spop (v2sf)  }
0xcb: {  	v4 =	vor.u32 s15, v0;
	s15 =	smov.u32 s16;
	(v2sf) =	vpush v3, $0xF;
	s14 =	sadd.s32 s14, s18  }
0xcc: {  	s17 =	sadd.s32 $0x10, s17;
	[tilespmem:s14+$0x10800] =	vst.msk vm0, v4  }
0xcd: {  	s16 =	sadd.s32 $0x10, s16;
	v3 =	vld [tilespmem:s17+$0x0]  }
0xce: {  	_ =	sdelay $0x3  }
0xcf: {  	v3 =	vshrl.u32 v3, $0x2  }
0xd0: {  	v3 =	vand.u32 $0x1, v3  }
0xd1: {  	(xrf0) =	vadd.scan.msk.s32 $0xffff, v3;
	_ =	sdelay $0x5  }
0xd2: {  	v4, _, _ =	vpop (xrf0)  }
0xd3: {  	(v2sf) =	vpush v4, $0xF;
	_ =	sdelay $0xd  }
0xd4: {  	s16 =	spop (v2sf)  }
0xd5: {  	s16 =	sadd.s32 s14, s16;
	s31 =	spop (v2sf)  }
0xd6: {  	s14 =	sadd.s32 s16, s31  }
0xd7: {  	p0 =	sgt.s32 s14, $0x1FF  }
.Ltmp10:
0xd8: {  	_ = 	snop;
	(pc) =	sbr.rel @p0 .LBB2_20-.Ltmp10, $3  }
0xd9: {  	_ =	sdelay $0x1  }
0xda: {  	vm0 =	veq.s32 v3, $0x1;
	v3 =	vor.u32 s15, v0  }
0xdb: {  	[tilespmem:s16+$0x10800] =	vst.msk vm0, v3  }
0xdc: {  	s15 =	simm.s32 $0x0  }
0xdd: {  	v3 =	vld [tilespmem:s15+$0x0];
	_ =	sdelay $0x4  }
0xde: {  	v3 =	vxor.u32 $0xFFFFFFFF, v3  }
0xdf: {  	v3 =	vshrl.u32 v3, $0x2  }
0xe0: {  	v3 =	vand.u32 $0x1, v3  }
0xe1: {  	(xrf0) =	vadd.scan.msk.s32 $0xffff, v3;
	_ =	sdelay $0x5  }
0xe2: {  	s16 =	ssub.s32 $0x200, s14;
	v5, _, _ =	vpop (xrf0)  }
0xe3: {  	v4 =	vmov s16;
	v5 =	vadd.s32 s15, v5  }
0xe4: {  	vm0 =	vgt.s32 v5, v4  }
0xe5: {  	v5 =	vsel vm0, $0x0, v3  }
0xe6: {  	s31 =	sadd.s32 $0x10800, s14;
	vm0 =	vne.s32 v5, $0x0  }
0xe7: {  	v3 =	vmov s31;
	_ =	sdelay $0x3  }
0xe8: {  	v6 =	vor.u32 s15, v0  }
0xe9: {  	s16 =	simm.s32 $0x10;
	(xrf0) =	vadd.scan.msk.s32 $0xffff, v5;
	[tilespmem:v3+s15+$0x0 ss:$0x1] =	vst.idx.msk vm0, v6  }
0xea: {  	v6 =	vld [tilespmem:s16+$0x0];
	_ =	sdelay $0x4  }
0xeb: {  	v5 =	vxor.u32 $0xFFFFFFFF, v6;
	v6, _, _ =	vpop (xrf0)  }
0xec: {  	(v2sf) =	vpush v6, $0xF;
	_ =	sdelay $0x7  }
0xed: {  	v5 =	vshrl.u32 v5, $0x2  }
0xee: {  	v5 =	vand.u32 $0x1, v5  }
0xef: {  	(xrf0) =	vadd.scan.msk.s32 $0xffff, v5;
	_ =	sdelay $0x1  }
0xf0: {  	s14 =	simm.s32 $0x20;
	s18 =	simm.s32 $0x30;
	s17 =	simm.s32 $0x10  }
.LBB2_18:
0xf1: {  	p0 =	sne.s32 s18, $0xFFF0;
	_ =	sdelay $0x1  }
0xf2: {  	s19 =	spop (v2sf)  }
0xf3: {  	v6, _, _ =	vpop (xrf0);
	s15 =	sadd.s32 s15, s19  }
0xf4: {  	v6 =	vadd.s32 s15, v6  }
0xf5: {  	vm0 =	vgt.s32 v6, v4  }
0xf6: {  	v5 =	vsel vm0, $0x0, v5  }
0xf7: {  	vm0 =	vne.s32 v5, $0x0;
	(xrf0) =	vadd.scan.msk.s32 $0xffff, v5;
	_ =	sdelay $0x4  }
0xf8: {  	v6 =	vor.u32 s16, v0;
	s16 =	smov.u32 s14;
	s14 =	smov.u32 s18  }
0xf9: {  	[tilespmem:v3+s15+$0x0 ss:$0x1] =	vst.idx.msk vm0, v6;
	v5, _, _ =	vpop (xrf0)  }
0xfa: {  	(v2sf) =	vpush v5, $0xF  }
0xfb: {  	s17 =	sadd.s32 $0x10, s17  }
0xfc: {  	v5 =	vld [tilespmem:s17+$0x0];
	_ =	sdelay $0x4  }
0xfd: {  	v5 =	vxor.u32 $0xFFFFFFFF, v5  }
.Ltmp11:
0xfe: {  	v5 =	vshrl.u32 v5, $0x2;
	(pc) =	sbr.rel @p0 .LBB2_18-.Ltmp11, $3  }
0xff: {  	v5 =	vand.u32 $0x1, v5  }
0x100: {  	(xrf0) =	vadd.scan.msk.s32 $0xffff, v5;
	_ =	sdelay $0x1  }
0x101: {  	s18 =	sadd.s32 $0x10, s18  }
0x102: {  	_ =	sdelay $0x1  }
0x103: {  	s18 =	spop (v2sf)  }
0x104: {  	v6, _, _ =	vpop (xrf0);
	s15 =	sadd.s32 s15, s18  }
0x105: {  	v6 =	vadd.s32 s15, v6  }
0x106: {  	vm0 =	vgt.s32 v6, v4  }
0x107: {  	v5 =	vsel vm0, $0x0, v5  }
0x108: {  	(xrf0) =	vadd.scan.msk.s32 $0xffff, v5;
	_ =	sdelay $0x1  }
0x109: {  	vm0 =	vne.s32 v5, $0x0;
	_ =	sdelay $0x3  }
0x10a: {  	v59, _, _ =	vpop (xrf0)  }
0x10b: {  	v60 =	vor.u32 s16, v0;
	(v2sf) =	vpush v59, $0xF  }
0x10c: {  	s29 =	sadd.s32 $0x10, s17;
	[tilespmem:v3+s15+$0x0 ss:$0x1] =	vst.idx.msk vm0, v60  }
0x10d: {  	v5 =	vld [tilespmem:s29+$0x0];
	_ =	sdelay $0x4  }
0x10e: {  	v5 =	vxor.u32 $0xFFFFFFFF, v5  }
0x10f: {  	v5 =	vshrl.u32 v5, $0x2  }
0x110: {  	v5 =	vand.u32 $0x1, v5  }
0x111: {  	(xrf0) =	vadd.scan.msk.s32 $0xffff, v5;
	_ =	sdelay $0x4  }
0x112: {  	s30 =	spop (v2sf)  }
0x113: {  	v61, _, _ =	vpop (xrf0);
	s15 =	sadd.s32 s15, s30  }
0x114: {  	v6 =	vadd.s32 s15, v61  }
0x115: {  	vm15 =	vgt.s32 v6, v4  }
0x116: {  	v4 =	vsel vm15, $0x0, v5  }
0x117: {  	(xrf0) =	vadd.scan.msk.s32 $0xffff, v4;
	_ =	sdelay $0x5  }
0x118: {  	v62, _, _ =	vpop (xrf0)  }
0x119: {  	(v2sf) =	vpush v62, $0xF;
	_ =	sdelay $0x8  }
0x11a: {  	vm0 =	vne.s32 v4, $0x0;
	_ =	sdelay $0x1  }
.Ltmp12:
0x11b: {  	_ = 	snop;
	(pc) =	sbr.rel .LBB2_20-.Ltmp12, $3  }
0x11c: {  	_ =	sdelay $0x1  }
0x11d: {  	v63 =	vor.u32 s14, v0  }
0x11e: {  	[tilespmem:v3+s15+$0x0 ss:$0x1] =	vst.idx.msk vm0, v63;
	s31 =	spop (v2sf)  }
.LBB2_21:
0x11f: {  	_ =	sfence.sel $0x180000  }
0x120: {  	[bflag:$0x0] =	sbarrier.arrive $0xFFFF  }
0x121: {  	p0 =	sne.s32 s1, $0x0;
	_ =	strace $0x90000047  }
0x122: {  	s0 =	sadd.s32 @!p0 $0x100000, s0;
	[bflag:$0x2] =	sbarrier.arrive $0xFFFF  }
0x123: {  	[sflag:s0] =	ssyncadd.tile.s32 @!p0 $0x1;
	_ =	shalt  }
.Lfunc_end2:
_tile_overlayer_lowered:
.L_overlay_start_2:
0x124: {  	(tag) =	ssettag $0x2  }
0x125: {  	s0 =	rddreg [dreg:$0x0];
	s2 =	stileid.u32  }
0x126: {  	s1 =	rddreg [dreg:$0x1];
	p0 =	sne.s32 s2, $0x0  }
0x127: {  	s3 =	rddreg [dreg:$0x2];
	[bflag:$0x3] =	sbarrier.arrive $0xFFFF;
	s2 =	simm.s32 @!p0 $0x1C01  }
0x128: {  	[timem:s3], [sflag:s2] =	dma.local @!p0 [hbm:s0], s1  }
0x129: {  	s0 =	simm.s32 @!p0 $0x1  }
0x12a: {  	_ =	swait.ge @!p0 [sflag:s0], s1  }
0x12b: {  	s1 =	ssub.s32 @!p0 $0x0, s1;
	[sflag:s0] =	ssyncset.done @!p0 $0x0  }
0x12c: {  	[sflag:s0] =	ssyncadd.s32 @!p0 s1  }
0x12d: {  	[bflag:$0x3] =	sbarrier.arrive $0xFFFF  }
0x12e: {  	_ =	shalt  }

</sc_bundles>
